<compile_context>
chip_gen: v7x
topology: tpu7x:2x2x1
jax: 0.10.2.dev20260603
libtpu: 0.0.44.dev20260713+nightly
codegen_flags: <defaults>
</compile_context>

<pallas_src>
import functools

import jax
import jax.numpy as jnp
from jax import lax
from jax.experimental import pallas as pl
from jax.experimental.pallas import tpu as pltpu
from jax.experimental.pallas import tpu_sc as plsc

_N = 50000
_E = 800000
_H = 64
_G = 128
_HH = 32

_EP = 802816
_EROWS = _EP // 128
_SUB_ROWS = _EROWS // 16
_W_ROWS = _EROWS // 32
_ACC_ROWS = 51200
_STRIPE = _ACC_ROWS // 16
_LAST_FLUSH = _N - 15 * _STRIPE

_R = 512
_NBLK = 98
_PR = 128
_PBLK = 391

_f32 = jnp.float32

_mesh = plsc.VectorSubcoreMesh(core_axis_name="c", subcore_axis_name="s")
_sc_params = pltpu.CompilerParams(use_tc_tiling_on_sc=False)


def _dot(a, b):
    return lax.dot_general(a, b, (((1,), (0,)), ((), ())),
                           preferred_element_type=_f32)



def _flush(acc, out, s):
    @pl.when(s < 15)
    def _():
        pltpu.sync_copy(acc.at[pl.ds(s * _STRIPE, _STRIPE)],
                        out.at[pl.ds(s * _STRIPE, _STRIPE)])

    @pl.when(s == 15)
    def _():
        pltpu.sync_copy(acc.at[pl.ds(15 * _STRIPE, _LAST_FLUSH)],
                        out.at[pl.ds(15 * _STRIPE, _LAST_FLUSH)])


def _deg_kernel(dst2, deg_a, deg_b, dbuf, obuf, zbuf, acc):
    c = lax.axis_index("c")
    s = lax.axis_index("s")

    @pl.loop(0, 128)
    def _fill(r):
        obuf[r, pl.ds(0, 16)] = jnp.full((16,), 1.0, _f32)
        zbuf[r, pl.ds(0, 16)] = jnp.zeros((16,), _f32)

    @pl.loop(0, _STRIPE, step=128)
    def _zero(r0):
        pltpu.sync_copy(zbuf, acc.at[pl.ds(s * _STRIPE + r0, 128)])

    plsc.subcore_barrier()

    w = c * 16 + s
    @pl.loop(0, _W_ROWS, step=4)
    def _chunk(k):
        r0 = w * _W_ROWS + k
        pltpu.sync_copy(dst2.at[pl.ds(r0, 4)], dbuf)
        for j in range(4):
            pltpu.sync_copy(obuf, acc.at[dbuf.at[j]], add=True)

    plsc.subcore_barrier()

    for cid, out in ((0, deg_a), (1, deg_b)):
        @pl.when(c == cid)
        def _():
            _flush(acc, out, s)


@jax.jit
def _sc_degree(dst2):
    out = jax.ShapeDtypeStruct((_N, 16), _f32)
    kern = pl.kernel(
        _deg_kernel,
        out_type=[out, out],
        mesh=_mesh,
        compiler_params=_sc_params,
        scratch_types=[
            pltpu.VMEM((4, 128), jnp.int32),
            pltpu.VMEM((128, 16), _f32),
            pltpu.VMEM((128, 16), _f32),
            pltpu.VMEM_SHARED((_ACC_ROWS, 16), _f32),
        ],
    )
    return kern(dst2)


def _agg_kernel(src2, dst2, hws_lo, hws_hi, out_lo, out_hi,
                sbuf0, dbuf0, gbuf0, sbuf1, dbuf1, gbuf1, acc, sem):
    c = lax.axis_index("c")
    s = lax.axis_index("s")

    @pl.loop(0, 256)
    def _fill(r):
        gbuf0[r, pl.ds(0, 16)] = jnp.zeros((16,), _f32)
        gbuf0[r, pl.ds(16, 16)] = jnp.zeros((16,), _f32)

    for i in range(12):
        pltpu.sync_copy(gbuf0, acc.at[pl.ds(s * _STRIPE + i * 256, 256)])
    pltpu.sync_copy(gbuf0.at[pl.ds(0, 128)],
                    acc.at[pl.ds(s * _STRIPE + 3072, 128)])

    plsc.subcore_barrier()

    base = s * _SUB_ROWS
    n_chunks = _SUB_ROWS // 2

    def run_core(tbl):
        def fire(chunk, sb, db, gb):
            r0 = base + chunk * 2
            pltpu.sync_copy(src2.at[pl.ds(r0, 2)], sb)
            pltpu.sync_copy(dst2.at[pl.ds(r0, 2)], db)
            for j in range(2):
                pltpu.async_copy(tbl.at[sb.at[j]],
                                 gb.at[pl.ds(j * 128, 128)], sem)

        def drain_scatter(sb, db, gb):
            for j in range(2):
                pltpu.make_async_copy(tbl.at[sb.at[j]],
                                      gb.at[pl.ds(j * 128, 128)], sem).wait()
            for j in range(2):
                pltpu.sync_copy(gb.at[pl.ds(j * 128, 128)],
                                acc.at[db.at[j]], add=True)

        fire(0, sbuf0, dbuf0, gbuf0)

        @pl.loop(0, n_chunks - 2, step=2)
        def _pair(k):
            fire(k + 1, sbuf1, dbuf1, gbuf1)
            drain_scatter(sbuf0, dbuf0, gbuf0)
            fire(k + 2, sbuf0, dbuf0, gbuf0)
            drain_scatter(sbuf1, dbuf1, gbuf1)

        fire(n_chunks - 1, sbuf1, dbuf1, gbuf1)
        drain_scatter(sbuf0, dbuf0, gbuf0)
        drain_scatter(sbuf1, dbuf1, gbuf1)

    for cid, tbl in ((0, hws_lo), (1, hws_hi)):
        @pl.when(c == cid)
        def _():
            run_core(tbl)

    plsc.subcore_barrier()

    for cid, out in ((0, out_lo), (1, out_hi)):
        @pl.when(c == cid)
        def _():
            _flush(acc, out, s)


@jax.jit
def _sc_aggregate(src2, dst2, hws_lo, hws_hi):
    out = jax.ShapeDtypeStruct((_N, _HH), _f32)
    kern = pl.kernel(
        _agg_kernel,
        out_type=[out, out],
        mesh=_mesh,
        compiler_params=_sc_params,
        scratch_types=[
            pltpu.VMEM((2, 128), jnp.int32),
            pltpu.VMEM((2, 128), jnp.int32),
            pltpu.VMEM((256, _HH), _f32),
            pltpu.VMEM((2, 128), jnp.int32),
            pltpu.VMEM((2, 128), jnp.int32),
            pltpu.VMEM((256, _HH), _f32),
            pltpu.VMEM_SHARED((_ACC_ROWS, _HH), _f32),
            pltpu.SemaphoreType.DMA,
        ],
    )
    return kern(src2, dst2, hws_lo, hws_hi)



def _t1_kernel(dega_ref, degb_ref, x_ref, w_ref, dinv_ref, lo_ref, hi_ref):
    deg = dega_ref[:, 0:1] + degb_ref[:, 0:1] + 1.0
    dinv = 1.0 / jnp.sqrt(deg)
    dinv_ref[...] = jnp.broadcast_to(dinv, (_R, 8))
    hw = _dot(x_ref[...], w_ref[...]) * dinv
    lo_ref[...] = hw[:, :_HH]
    hi_ref[...] = hw[:, _HH:]


@jax.jit
def _tc_first(deg_a, deg_b, x8, w1):
    return pl.pallas_call(
        _t1_kernel,
        grid=(_NBLK,),
        in_specs=[
            pl.BlockSpec((_R, 16), lambda i: (i, 0)),
            pl.BlockSpec((_R, 16), lambda i: (i, 0)),
            pl.BlockSpec((_R, 8), lambda i: (i, 0)),
            pl.BlockSpec((8, _H), lambda i: (0, 0)),
        ],
        out_specs=[
            pl.BlockSpec((_R, 8), lambda i: (i, 0)),
            pl.BlockSpec((_R, _HH), lambda i: (i, 0)),
            pl.BlockSpec((_R, _HH), lambda i: (i, 0)),
        ],
        out_shape=[
            jax.ShapeDtypeStruct((_N, 8), _f32),
            jax.ShapeDtypeStruct((_N, _HH), _f32),
            jax.ShapeDtypeStruct((_N, _HH), _f32),
        ],
    )(deg_a, deg_b, x8, w1)


def _stats_kernel(alo_ref, ahi_ref, hlo_ref, hhi_ref, dinv_ref, b_ref,
                  z_ref, st_ref, sacc):
    i = pl.program_id(0)

    @pl.when(i == 0)
    def _():
        sacc[...] = jnp.zeros((8, _H), _f32)

    agg = jnp.concatenate([alo_ref[...], ahi_ref[...]], axis=1)
    hws = jnp.concatenate([hlo_ref[...], hhi_ref[...]], axis=1)
    z = dinv_ref[:, 0:1] * (agg + hws) + b_ref[...]
    valid = (i * _R + lax.broadcasted_iota(jnp.int32, (_R, 1), 0)) < _N
    zm = jnp.where(valid, z, 0.0)
    sacc[0:1, :] += jnp.sum(zm, axis=0, keepdims=True)
    sacc[1:2, :] += jnp.sum(zm * zm, axis=0, keepdims=True)
    z_ref[...] = z

    @pl.when(i == _NBLK - 1)
    def _():
        st_ref[...] = sacc[...]


@jax.jit
def _tc_stats(agg_lo, agg_hi, hws_lo, hws_hi, dinv8, bvec):
    return pl.pallas_call(
        _stats_kernel,
        grid=(_NBLK,),
        in_specs=[
            pl.BlockSpec((_R, _HH), lambda i: (i, 0)),
            pl.BlockSpec((_R, _HH), lambda i: (i, 0)),
            pl.BlockSpec((_R, _HH), lambda i: (i, 0)),
            pl.BlockSpec((_R, _HH), lambda i: (i, 0)),
            pl.BlockSpec((_R, 8), lambda i: (i, 0)),
            pl.BlockSpec((1, _H), lambda i: (0, 0)),
        ],
        out_specs=[
            pl.BlockSpec((_R, _H), lambda i: (i, 0)),
            pl.BlockSpec((8, _H), lambda i: (0, 0)),
        ],
        out_shape=[
            jax.ShapeDtypeStruct((_N, _H), _f32),
            jax.ShapeDtypeStruct((8, _H), _f32),
        ],
        scratch_shapes=[pltpu.VMEM((8, _H), _f32)],
    )(agg_lo, agg_hi, hws_lo, hws_hi, dinv8, bvec)


def _bn_relu(z, st, g, be):
    mean = st[0:1, :] * (1.0 / _N)
    var = st[1:2, :] * (1.0 / _N) - mean * mean
    return jnp.maximum((z - mean) / jnp.sqrt(var + 1e-5) * g + be, 0.0)


def _apply_kernel(z_ref, st_ref, g_ref, be_ref, w_ref, dinv_ref,
                  lo_ref, hi_ref):
    h = _bn_relu(z_ref[...], st_ref[...], g_ref[...], be_ref[...])
    hw = _dot(h, w_ref[...]) * dinv_ref[:, 0:1]
    lo_ref[...] = hw[:, :_HH]
    hi_ref[...] = hw[:, _HH:]


@jax.jit
def _tc_apply(z, st, gvec, bevec, wn, dinv8):
    return pl.pallas_call(
        _apply_kernel,
        grid=(_NBLK,),
        in_specs=[
            pl.BlockSpec((_R, _H), lambda i: (i, 0)),
            pl.BlockSpec((8, _H), lambda i: (0, 0)),
            pl.BlockSpec((1, _H), lambda i: (0, 0)),
            pl.BlockSpec((1, _H), lambda i: (0, 0)),
            pl.BlockSpec((_H, _H), lambda i: (0, 0)),
            pl.BlockSpec((_R, 8), lambda i: (i, 0)),
        ],
        out_specs=[
            pl.BlockSpec((_R, _HH), lambda i: (i, 0)),
            pl.BlockSpec((_R, _HH), lambda i: (i, 0)),
        ],
        out_shape=[
            jax.ShapeDtypeStruct((_N, _HH), _f32),
            jax.ShapeDtypeStruct((_N, _HH), _f32),
        ],
    )(z, st, gvec, bevec, wn, dinv8)


def _final_kernel(z_ref, st_ref, g_ref, be_ref, h_ref):
    h_ref[...] = _bn_relu(z_ref[...], st_ref[...], g_ref[...], be_ref[...])


@jax.jit
def _tc_final(z, st, gvec, bevec):
    return pl.pallas_call(
        _final_kernel,
        grid=(_NBLK,),
        in_specs=[
            pl.BlockSpec((_R, _H), lambda i: (i, 0)),
            pl.BlockSpec((8, _H), lambda i: (0, 0)),
            pl.BlockSpec((1, _H), lambda i: (0, 0)),
            pl.BlockSpec((1, _H), lambda i: (0, 0)),
        ],
        out_specs=pl.BlockSpec((_R, _H), lambda i: (i, 0)),
        out_shape=jax.ShapeDtypeStruct((_N, _H), _f32),
    )(z, st, gvec, bevec)


def _pool_kernel(h_ref, b_ref, sum_ref, max_ref, cnt_ref, ssum, smax, scnt):
    i = pl.program_id(0)

    @pl.when(i == 0)
    def _():
        ssum[...] = jnp.zeros((_G, _H), _f32)
        smax[...] = jnp.full((_G, _H), -jnp.inf, _f32)
        scnt[...] = jnp.zeros((_G, 8), _f32)

    h = h_ref[...]
    bb = b_ref[...]
    valid = (i * _PR + lax.broadcasted_iota(jnp.int32, (_PR, 1), 0)) < _N
    g_lo = jnp.min(jnp.where(valid, bb, _G - 1))
    g_hi = jnp.max(jnp.where(valid, bb, 0))

    def body(g, _):
        m = jnp.logical_and(valid, bb == g)
        s = jnp.sum(jnp.where(m, h, 0.0), axis=0, keepdims=True)
        mx = jnp.max(jnp.where(m, h, -jnp.inf), axis=0, keepdims=True)
        cn = jnp.sum(jnp.where(m, 1.0, 0.0))
        ssum[pl.ds(g, 1), :] += s
        smax[pl.ds(g, 1), :] = jnp.maximum(smax[pl.ds(g, 1), :], mx)
        scnt[pl.ds(g, 1), :] += jnp.full((1, 8), cn, _f32)
        return 0

    lax.fori_loop(g_lo, g_hi + 1, body, 0)

    @pl.when(i == _PBLK - 1)
    def _():
        sum_ref[...] = ssum[...]
        max_ref[...] = smax[...]
        cnt_ref[...] = scnt[...]


@jax.jit
def _tc_pool(h3, batch2):
    return pl.pallas_call(
        _pool_kernel,
        grid=(_PBLK,),
        in_specs=[
            pl.BlockSpec((_PR, _H), lambda i: (i, 0)),
            pl.BlockSpec((_PR, 1), lambda i: (i, 0)),
        ],
        out_specs=[
            pl.BlockSpec((_G, _H), lambda i: (0, 0)),
            pl.BlockSpec((_G, _H), lambda i: (0, 0)),
            pl.BlockSpec((_G, 8), lambda i: (0, 0)),
        ],
        out_shape=[
            jax.ShapeDtypeStruct((_G, _H), _f32),
            jax.ShapeDtypeStruct((_G, _H), _f32),
            jax.ShapeDtypeStruct((_G, 8), _f32),
        ],
        scratch_shapes=[
            pltpu.VMEM((_G, _H), _f32),
            pltpu.VMEM((_G, _H), _f32),
            pltpu.VMEM((_G, 8), _f32),
        ],
    )(h3, batch2)


def _head_kernel(sum_ref, max_ref, cnt_ref, w1_ref, b1_ref, g1_ref, be1_ref,
                 w2_ref, b2_ref, g2_ref, be2_ref, w3_ref, b3_ref, out_ref):
    cnt = jnp.maximum(cnt_ref[:, 0:1], 1.0)
    z = jnp.concatenate([sum_ref[...] / cnt, max_ref[...]], axis=1)

    def bn_exact(a, g, be):
        m = jnp.mean(a, axis=0, keepdims=True)
        v = jnp.mean((a - m) * (a - m), axis=0, keepdims=True)
        return jnp.maximum((a - m) / jnp.sqrt(v + 1e-5) * g + be, 0.0)

    a1 = bn_exact(_dot(z, w1_ref[...]) + b1_ref[...], g1_ref[...], be1_ref[...])
    a2 = bn_exact(_dot(a1, w2_ref[...]) + b2_ref[...], g2_ref[...], be2_ref[...])
    out_ref[...] = _dot(a2, w3_ref[...]) + b3_ref[...]


@jax.jit
def _tc_head(sums, maxs, cnt, p):
    return pl.pallas_call(
        _head_kernel,
        out_shape=jax.ShapeDtypeStruct((_G, 8), _f32),
    )(sums, maxs, cnt,
      p["lin1_W"], p["lin1_b"].reshape(1, _H),
      p["gf1"].reshape(1, _H), p["bf1"].reshape(1, _H),
      p["lin2_W"], p["lin2_b"].reshape(1, _HH),
      p["gf2"].reshape(1, _HH), p["bf2"].reshape(1, _HH),
      jnp.pad(p["lin3_W"], ((0, 0), (0, 6))),
      jnp.pad(p["lin3_b"], (0, 6)).reshape(1, 8))



def kernel(x, edge_index, batch, params):
    pad = _EP - _E
    idx = jnp.arange(pad, dtype=jnp.int32)
    src2 = jnp.concatenate(
        [edge_index[0].astype(jnp.int32), idx * 17 % _N]).reshape(_EROWS, 128)
    dst2 = jnp.concatenate(
        [edge_index[1].astype(jnp.int32),
         _N + idx % (_ACC_ROWS - _N)]).reshape(_EROWS, 128)
    x8 = jnp.pad(x, ((0, 0), (0, 5)))
    w1 = jnp.pad(params["W1"], ((0, 5), (0, 0)))
    batch2 = batch.astype(jnp.int32).reshape(_N, 1)

    deg_a, deg_b = _sc_degree(dst2)
    dinv8, lo, hi = _tc_first(deg_a, deg_b, x8, w1)

    for l, wn in (("1", "W2"), ("2", "W3"), ("3", None)):
        agg_lo, agg_hi = _sc_aggregate(src2, dst2, lo, hi)
        z, st = _tc_stats(agg_lo, agg_hi, lo, hi, dinv8,
                          params["b" + l].reshape(1, _H))
        gvec = params["g" + l].reshape(1, _H)
        bevec = params["be" + l].reshape(1, _H)
        if wn is not None:
            lo, hi = _tc_apply(z, st, gvec, bevec, params[wn], dinv8)
        else:
            h3 = _tc_final(z, st, gvec, bevec)

    sums, maxs, cnt = _tc_pool(h3, batch2)
    out = _tc_head(sums, maxs, cnt, params)
    return out[:, :2]

# --- scband reference (transcript-rebuilt; emitter-appended) ---
"""Pipeline reference for scband-enhanced-syntax-gcn-31868657336589 (READ-ONLY COPY).

The authoritative reference and input builder live on the scoring server;
editing this copy changes nothing except your own understanding.
"""

import jax, jax.numpy as jnp
import numpy as np

N = 50000
E = 800000
H = 64
G = 128


def _bn(x, g, b):
    m = jnp.mean(x, axis=0)
    v = jnp.var(x, axis=0)
    return (x - m) / jnp.sqrt(v + 1e-5) * g + b


def setup_inputs(seed: int = 0):
    key = jax.random.key(seed)
    ks = jax.random.split(key, 12)
    x = jax.random.normal(ks[0], (N, 3), dtype=jnp.float32)
    edge_index = jax.random.randint(ks[1], (2, E), 0, N)
    batch = jnp.sort(jax.random.randint(ks[2], (N,), 0, G))

    def w(k, shape):
        return (jax.random.normal(k, shape, dtype=jnp.float32) / np.sqrt(shape[0])).astype(jnp.float32)

    params = {
        "W1": w(ks[3], (3, H)), "b1": jnp.zeros((H,), jnp.float32),
        "g1": jnp.ones((H,), jnp.float32), "be1": jnp.zeros((H,), jnp.float32),
        "W2": w(ks[4], (H, H)), "b2": jnp.zeros((H,), jnp.float32),
        "g2": jnp.ones((H,), jnp.float32), "be2": jnp.zeros((H,), jnp.float32),
        "W3": w(ks[5], (H, H)), "b3": jnp.zeros((H,), jnp.float32),
        "g3": jnp.ones((H,), jnp.float32), "be3": jnp.zeros((H,), jnp.float32),
        "lin1_W": w(ks[6], (2 * H, H)), "lin1_b": jnp.zeros((H,), jnp.float32),
        "gf1": jnp.ones((H,), jnp.float32), "bf1": jnp.zeros((H,), jnp.float32),
        "lin2_W": w(ks[7], (H, H // 2)), "lin2_b": jnp.zeros((H // 2,), jnp.float32),
        "gf2": jnp.ones((H // 2,), jnp.float32), "bf2": jnp.zeros((H // 2,), jnp.float32),
        "lin3_W": w(ks[8], (H // 2, 2)), "lin3_b": jnp.zeros((2,), jnp.float32),
    }
    return {"x": x, "edge_index": edge_index, "batch": batch, "params": params}


def _forward(x, params, edge_index, batch):
    loops = jnp.arange(N, dtype=edge_index.dtype)
    src = jnp.concatenate([edge_index[0], loops])
    dst = jnp.concatenate([edge_index[1], loops])
    deg = jnp.zeros((N,), jnp.float32).at[dst].add(1.0)
    dinv = jnp.where(deg > 0, 1.0 / jnp.sqrt(deg), 0.0)
    norm = dinv[src] * dinv[dst]

    def gcn(h, W, b):
        hw = h @ W
        msg = hw[src] * norm[:, None]
        return jnp.zeros((N, W.shape[1]), jnp.float32).at[dst].add(msg) + b

    h = jax.nn.relu(_bn(gcn(x, params["W1"], params["b1"]), params["g1"], params["be1"]))
    h = jax.nn.relu(_bn(gcn(h, params["W2"], params["b2"]), params["g2"], params["be2"]))
    h = jax.nn.relu(_bn(gcn(h, params["W3"], params["b3"]), params["g3"], params["be3"]))

    ones = jnp.ones((N, 1), jnp.float32)
    cnt = jax.ops.segment_sum(ones, batch, num_segments=G)
    x_mean = jax.ops.segment_sum(h, batch, num_segments=G) / jnp.maximum(cnt, 1.0)
    x_max = jax.ops.segment_max(h, batch, num_segments=G)
    z = jnp.concatenate([x_mean, x_max], axis=1)

    z = jax.nn.relu(_bn(z @ params["lin1_W"] + params["lin1_b"], params["gf1"], params["bf1"]))
    z = jax.nn.relu(_bn(z @ params["lin2_W"] + params["lin2_b"], params["gf2"], params["bf2"]))
    return z @ params["lin3_W"] + params["lin3_b"]


def reference(x, edge_index, batch, params):
    return _forward(x, params, edge_index, batch)

if __name__ == "__main__":
    import jax
    _d = setup_inputs()
    print(jax.jit(kernel)(*tuple(_d.values())))

</pallas_src>

<mosaic_0001>
#map = affine_map<(d0, d1) -> (0, 0)>
module attributes {stable_mosaic.version = 14 : i64} {
  func.func @_deg_kernel(%arg0: i32, %arg1: i32, %arg2: memref<6272x128xi32, #tpu.memory_space<hbm>>, %arg3: memref<50000x16xf32, #tpu.memory_space<hbm>>, %arg4: memref<50000x16xf32, #tpu.memory_space<hbm>>, %arg5: memref<4x128xi32, #tpu.memory_space<vmem>>, %arg6: memref<128x16xf32, #tpu.memory_space<vmem>>, %arg7: memref<128x16xf32, #tpu.memory_space<vmem>>, %arg8: memref<51200x16xf32, #tpu.memory_space<vmem_shared>>) attributes {dimension_semantics = [#tpu.dimension_semantics<core_parallel>, #tpu.dimension_semantics<subcore_parallel>], iteration_bounds = array<i64: 2, 16>, scalar_prefetch = 0 : i64, scratch_operands = 4 : i64, tpu.core_type = #tpu.core_type<sc_vector_subcore>, window_params = [{transform_indices = #map}, {transform_indices = #map}, {transform_indices = #map}]} {
    %scan3A = arith.constant 0 : i32
    %scan3A_0 = arith.constant 128 : i32
    %scan3A_1 = arith.addi %scan3A, %scan3A_0 : i32
    %scan3A_2 = arith.constant 1 : i32
    scf.for %scan3A_23 = %scan3A to %scan3A_1 step %scan3A_2  : i32 {
      %mul3A_24 = arith.constant 1 : i32
      %mul3A_25 = arith.muli %scan3A_23, %mul3A_24 : i32
      %add3A_26 = arith.constant 0 : i32
      %add3A_27 = arith.addi %add3A_26, %mul3A_25 : i32
      %broadcast_in_dim3A = arith.constant 1.000000e+00 : f32
      %broadcast_in_dim3A_28 = vector.broadcast %broadcast_in_dim3A : f32 to vector<16xf32>
      %swap3A = arith.index_cast %add3A_27 : i32 to index
      %swap3A_29 = arith.constant 0 : index
      %swap3A_30 = tpu.vector_load %arg6[%swap3A, %swap3A_29] {strides = array<i32>} : memref<128x16xf32, #tpu.memory_space<vmem>>, vector<1x16xf32>,
      %swap3A_31 = vector.shape_cast %swap3A_30 : vector<1x16xf32> to vector<16xf32>
      %swap3A_32 = vector.shape_cast %broadcast_in_dim3A_28 : vector<16xf32> to vector<1x16xf32>
      tpu.vector_store %arg6[%swap3A, %swap3A_29], %swap3A_32 {strides = array<i32>} : memref<128x16xf32, #tpu.memory_space<vmem>>, vector<1x16xf32>,
      %broadcast_in_dim3A_33 = arith.constant 0.000000e+00 : f32
      %broadcast_in_dim3A_34 = vector.broadcast %broadcast_in_dim3A_33 : f32 to vector<16xf32>
      %swap3A_35 = arith.index_cast %add3A_27 : i32 to index
      %swap3A_36 = arith.constant 0 : index
      %swap3A_37 = tpu.vector_load %arg7[%swap3A_35, %swap3A_36] {strides = array<i32>} : memref<128x16xf32, #tpu.memory_space<vmem>>, vector<1x16xf32>,
      %swap3A_38 = vector.shape_cast %swap3A_37 : vector<1x16xf32> to vector<16xf32>
      %swap3A_39 = vector.shape_cast %broadcast_in_dim3A_34 : vector<16xf32> to vector<1x16xf32>
      tpu.vector_store %arg7[%swap3A_35, %swap3A_36], %swap3A_39 {strides = array<i32>} : memref<128x16xf32, #tpu.memory_space<vmem>>, vector<1x16xf32>,
    }
    %scan3A_3 = arith.constant 128 : i32
    %scan3A_4 = arith.constant 0 : i32
    %scan3A_5 = arith.constant 25 : i32
    %scan3A_6 = arith.addi %scan3A_4, %scan3A_5 : i32
    %scan3A_7 = arith.constant 1 : i32
    scf.for %scan3A_23 = %scan3A_4 to %scan3A_6 step %scan3A_7  : i32 {
      %mul3A_24 = arith.constant 128 : i32
      %mul3A_25 = arith.muli %scan3A_23, %mul3A_24 : i32
      %add3A_26 = arith.constant 0 : i32
      %add3A_27 = arith.addi %add3A_26, %mul3A_25 : i32
      %mul3A_28 = arith.constant 3200 : i32
      %mul3A_29 = arith.muli %arg1, %mul3A_28 : i32
      %add3A_30 = arith.addi %mul3A_29, %add3A_27 : i32
      "tpu.region"() ({
        %run_scoped3A = tpu.sem_alloc : memref<!tpu.dma_semaphore, #tpu.memory_space<semaphore_mem>>
        %dma_start3A = arith.constant 0 : i32
        %dma_start3A_31 = tpu.memref_slice %arg8[%add3A_30, %dma_start3A] : memref<51200x16xf32, #tpu.memory_space<vmem_shared>> -> memref<128x16xf32, #tpu.memory_space<vmem_shared>>
        %dma_start3A_32 = arith.constant 0 : i32
        %dma_start3A_33 = tpu.memref_slice %arg8[%add3A_30, %dma_start3A_32] : memref<51200x16xf32, #tpu.memory_space<vmem_shared>> -> memref<128x16xf32, #tpu.memory_space<vmem_shared>>
        tpu.enqueue_dma source(%arg7 : memref<128x16xf32, #tpu.memory_space<vmem>>) target(%dma_start3A_33 : memref<128x16xf32, #tpu.memory_space<vmem_shared>>) target_semaphore(%run_scoped3A : memref<!tpu.dma_semaphore, #tpu.memory_space<semaphore_mem>>)
        %dma_wait3A = arith.constant 0 : i32
        %dma_wait3A_34 = tpu.memref_slice %arg8[%add3A_30, %dma_wait3A] : memref<51200x16xf32, #tpu.memory_space<vmem_shared>> -> memref<128x16xf32, #tpu.memory_space<vmem_shared>>
        %dma_wait3A_35 = arith.constant 0 : i32
        %dma_wait3A_36 = tpu.memref_slice %arg8[%add3A_30, %dma_wait3A_35] : memref<51200x16xf32, #tpu.memory_space<vmem_shared>> -> memref<128x16xf32, #tpu.memory_space<vmem_shared>>
        tpu.wait_dma2 semaphore(%run_scoped3A : memref<!tpu.dma_semaphore, #tpu.memory_space<semaphore_mem>>) src(%arg7 : memref<128x16xf32, #tpu.memory_space<vmem>>) dst(%dma_wait3A_36 : memref<128x16xf32, #tpu.memory_space<vmem_shared>>)
        tpu.yield
      }) : () -> ()
    }
    %scan3A_8 = arith.constant 25 : i32
    %barrier3A = arith.constant 0 : index
    tpu.barrier barrier_id(%barrier3A)
    %mul3A = arith.constant 16 : i32
    %mul3A_9 = arith.muli %arg0, %mul3A : i32
    %add3A = arith.addi %mul3A_9, %arg1 : i32
    %scan3A_10 = arith.constant 0 : i32
    %scan3A_11 = arith.constant 49 : i32
    %scan3A_12 = arith.addi %scan3A_10, %scan3A_11 : i32
    %scan3A_13 = arith.constant 1 : i32
    scf.for %scan3A_23 = %scan3A_10 to %scan3A_12 step %scan3A_13  : i32 {
      %mul3A_24 = arith.constant 4 : i32
      %mul3A_25 = arith.muli %scan3A_23, %mul3A_24 : i32
      %add3A_26 = arith.constant 0 : i32
      %add3A_27 = arith.addi %add3A_26, %mul3A_25 : i32
      %mul3A_28 = arith.constant 196 : i32
      %mul3A_29 = arith.muli %add3A, %mul3A_28 : i32
      %add3A_30 = arith.addi %mul3A_29, %add3A_27 : i32
      "tpu.region"() ({
        %run_scoped3A_34 = tpu.sem_alloc : memref<!tpu.dma_semaphore, #tpu.memory_space<semaphore_mem>>
        %dma_start3A = arith.constant 0 : i32
        %dma_start3A_35 = tpu.memref_slice %arg2[%add3A_30, %dma_start3A] : memref<6272x128xi32, #tpu.memory_space<hbm>> -> memref<4x128xi32, #tpu.memory_space<hbm>>
        %dma_start3A_36 = arith.constant 0 : i32
        %dma_start3A_37 = tpu.memref_slice %arg2[%add3A_30, %dma_start3A_36] : memref<6272x128xi32, #tpu.memory_space<hbm>> -> memref<4x128xi32, #tpu.memory_space<hbm>>
        tpu.enqueue_dma source(%dma_start3A_37 : memref<4x128xi32, #tpu.memory_space<hbm>>) target(%arg5 : memref<4x128xi32, #tpu.memory_space<vmem>>) target_semaphore(%run_scoped3A_34 : memref<!tpu.dma_semaphore, #tpu.memory_space<semaphore_mem>>)
        %dma_wait3A = arith.constant 0 : i32
        %dma_wait3A_38 = tpu.memref_slice %arg2[%add3A_30, %dma_wait3A] : memref<6272x128xi32, #tpu.memory_space<hbm>> -> memref<4x128xi32, #tpu.memory_space<hbm>>
        %dma_wait3A_39 = arith.constant 0 : i32
        %dma_wait3A_40 = tpu.memref_slice %arg2[%add3A_30, %dma_wait3A_39] : memref<6272x128xi32, #tpu.memory_space<hbm>> -> memref<4x128xi32, #tpu.memory_space<hbm>>
        tpu.wait_dma2 semaphore(%run_scoped3A_34 : memref<!tpu.dma_semaphore, #tpu.memory_space<semaphore_mem>>) src(%dma_wait3A_40 : memref<4x128xi32, #tpu.memory_space<hbm>>) dst(%arg5 : memref<4x128xi32, #tpu.memory_space<vmem>>)
        tpu.yield
      }) : () -> ()
      %run_scoped3A = arith.constant 0 : i32
      "tpu.region"() ({
        %run_scoped3A_34 = tpu.sem_alloc : memref<!tpu.dma_semaphore, #tpu.memory_space<semaphore_mem>>
        %dma_start3A = arith.constant 0 : i32
        %dma_start3A_35 = tpu.memref_slice %arg5[%run_scoped3A, %dma_start3A] : memref<4x128xi32, #tpu.memory_space<vmem>> -> memref<1x128xi32, #tpu.memory_space<vmem>>
        %dma_start3A_36 = tpu.memref_squeeze %dma_start3A_35 : memref<1x128xi32, #tpu.memory_space<vmem>> -> memref<128xi32, #tpu.memory_space<vmem>>
        %dma_start3A_37 = arith.constant 0 : i32
        %dma_start3A_38 = arith.constant 0 : i32
        %dma_start3A_39 = tpu.memref_slice %arg8[%dma_start3A_37, %dma_start3A_38] : memref<51200x16xf32, #tpu.memory_space<vmem_shared>> -> memref<51200x16xf32, #tpu.memory_space<vmem_shared>>
        tpu.enqueue_indirect_dma source(%arg6 : memref<128x16xf32, #tpu.memory_space<vmem>>) target(%dma_start3A_39 : memref<51200x16xf32, #tpu.memory_space<vmem_shared>>) offsets(%dma_start3A_36 : memref<128xi32, #tpu.memory_space<vmem>>) semaphore(%run_scoped3A_34 : memref<!tpu.dma_semaphore, #tpu.memory_space<semaphore_mem>>) {add = true}
        %dma_wait3A = arith.constant 0 : i32
        %dma_wait3A_40 = tpu.memref_slice %arg5[%run_scoped3A, %dma_wait3A] : memref<4x128xi32, #tpu.memory_space<vmem>> -> memref<1x128xi32, #tpu.memory_space<vmem>>
        %dma_wait3A_41 = tpu.memref_squeeze %dma_wait3A_40 : memref<1x128xi32, #tpu.memory_space<vmem>> -> memref<128xi32, #tpu.memory_space<vmem>>
        %dma_wait3A_42 = arith.constant 0 : i32
        %dma_wait3A_43 = arith.constant 0 : i32
        %dma_wait3A_44 = tpu.memref_slice %arg8[%dma_wait3A_42, %dma_wait3A_43] : memref<51200x16xf32, #tpu.memory_space<vmem_shared>> -> memref<51200x16xf32, #tpu.memory_space<vmem_shared>>
        tpu.wait_indirect_dma semaphore(%run_scoped3A_34 : memref<!tpu.dma_semaphore, #tpu.memory_space<semaphore_mem>>) src(%arg6 : memref<128x16xf32, #tpu.memory_space<vmem>>) dst(%dma_wait3A_44 : memref<51200x16xf32, #tpu.memory_space<vmem_shared>>)
        tpu.yield
      }) : () -> ()
      %run_scoped3A_31 = arith.constant 1 : i32
      "tpu.region"() ({
        %run_scoped3A_34 = tpu.sem_alloc : memref<!tpu.dma_semaphore, #tpu.memory_space<semaphore_mem>>
        %dma_start3A = arith.constant 0 : i32
        %dma_start3A_35 = tpu.memref_slice %arg5[%run_scoped3A_31, %dma_start3A] : memref<4x128xi32, #tpu.memory_space<vmem>> -> memref<1x128xi32, #tpu.memory_space<vmem>>
        %dma_start3A_36 = tpu.memref_squeeze %dma_start3A_35 : memref<1x128xi32, #tpu.memory_space<vmem>> -> memref<128xi32, #tpu.memory_space<vmem>>
        %dma_start3A_37 = arith.constant 0 : i32
        %dma_start3A_38 = arith.constant 0 : i32
        %dma_start3A_39 = tpu.memref_slice %arg8[%dma_start3A_37, %dma_start3A_38] : memref<51200x16xf32, #tpu.memory_space<vmem_shared>> -> memref<51200x16xf32, #tpu.memory_space<vmem_shared>>
        tpu.enqueue_indirect_dma source(%arg6 : memref<128x16xf32, #tpu.memory_space<vmem>>) target(%dma_start3A_39 : memref<51200x16xf32, #tpu.memory_space<vmem_shared>>) offsets(%dma_start3A_36 : memref<128xi32, #tpu.memory_space<vmem>>) semaphore(%run_scoped3A_34 : memref<!tpu.dma_semaphore, #tpu.memory_space<semaphore_mem>>) {add = true}
        %dma_wait3A = arith.constant 0 : i32
        %dma_wait3A_40 = tpu.memref_slice %arg5[%run_scoped3A_31, %dma_wait3A] : memref<4x128xi32, #tpu.memory_space<vmem>> -> memref<1x128xi32, #tpu.memory_space<vmem>>
        %dma_wait3A_41 = tpu.memref_squeeze %dma_wait3A_40 : memref<1x128xi32, #tpu.memory_space<vmem>> -> memref<128xi32, #tpu.memory_space<vmem>>
        %dma_wait3A_42 = arith.constant 0 : i32
        %dma_wait3A_43 = arith.constant 0 : i32
        %dma_wait3A_44 = tpu.memref_slice %arg8[%dma_wait3A_42, %dma_wait3A_43] : memref<51200x16xf32, #tpu.memory_space<vmem_shared>> -> memref<51200x16xf32, #tpu.memory_space<vmem_shared>>
        tpu.wait_indirect_dma semaphore(%run_scoped3A_34 : memref<!tpu.dma_semaphore, #tpu.memory_space<semaphore_mem>>) src(%arg6 : memref<128x16xf32, #tpu.memory_space<vmem>>) dst(%dma_wait3A_44 : memref<51200x16xf32, #tpu.memory_space<vmem_shared>>)
        tpu.yield
      }) : () -> ()
      %run_scoped3A_32 = arith.constant 2 : i32
      "tpu.region"() ({
        %run_scoped3A_34 = tpu.sem_alloc : memref<!tpu.dma_semaphore, #tpu.memory_space<semaphore_mem>>
        %dma_start3A = arith.constant 0 : i32
        %dma_start3A_35 = tpu.memref_slice %arg5[%run_scoped3A_32, %dma_start3A] : memref<4x128xi32, #tpu.memory_space<vmem>> -> memref<1x128xi32, #tpu.memory_space<vmem>>
        %dma_start3A_36 = tpu.memref_squeeze %dma_start3A_35 : memref<1x128xi32, #tpu.memory_space<vmem>> -> memref<128xi32, #tpu.memory_space<vmem>>
        %dma_start3A_37 = arith.constant 0 : i32
        %dma_start3A_38 = arith.constant 0 : i32
        %dma_start3A_39 = tpu.memref_slice %arg8[%dma_start3A_37, %dma_start3A_38] : memref<51200x16xf32, #tpu.memory_space<vmem_shared>> -> memref<51200x16xf32, #tpu.memory_space<vmem_shared>>
        tpu.enqueue_indirect_dma source(%arg6 : memref<128x16xf32, #tpu.memory_space<vmem>>) target(%dma_start3A_39 : memref<51200x16xf32, #tpu.memory_space<vmem_shared>>) offsets(%dma_start3A_36 : memref<128xi32, #tpu.memory_space<vmem>>) semaphore(%run_scoped3A_34 : memref<!tpu.dma_semaphore, #tpu.memory_space<semaphore_mem>>) {add = true}
        %dma_wait3A = arith.constant 0 : i32
        %dma_wait3A_40 = tpu.memref_slice %arg5[%run_scoped3A_32, %dma_wait3A] : memref<4x128xi32, #tpu.memory_space<vmem>> -> memref<1x128xi32, #tpu.memory_space<vmem>>
        %dma_wait3A_41 = tpu.memref_squeeze %dma_wait3A_40 : memref<1x128xi32, #tpu.memory_space<vmem>> -> memref<128xi32, #tpu.memory_space<vmem>>
        %dma_wait3A_42 = arith.constant 0 : i32
        %dma_wait3A_43 = arith.constant 0 : i32
        %dma_wait3A_44 = tpu.memref_slice %arg8[%dma_wait3A_42, %dma_wait3A_43] : memref<51200x16xf32, #tpu.memory_space<vmem_shared>> -> memref<51200x16xf32, #tpu.memory_space<vmem_shared>>
        tpu.wait_indirect_dma semaphore(%run_scoped3A_34 : memref<!tpu.dma_semaphore, #tpu.memory_space<semaphore_mem>>) src(%arg6 : memref<128x16xf32, #tpu.memory_space<vmem>>) dst(%dma_wait3A_44 : memref<51200x16xf32, #tpu.memory_space<vmem_shared>>)
        tpu.yield
      }) : () -> ()
      %run_scoped3A_33 = arith.constant 3 : i32
      "tpu.region"() ({
        %run_scoped3A_34 = tpu.sem_alloc : memref<!tpu.dma_semaphore, #tpu.memory_space<semaphore_mem>>
        %dma_start3A = arith.constant 0 : i32
        %dma_start3A_35 = tpu.memref_slice %arg5[%run_scoped3A_33, %dma_start3A] : memref<4x128xi32, #tpu.memory_space<vmem>> -> memref<1x128xi32, #tpu.memory_space<vmem>>
        %dma_start3A_36 = tpu.memref_squeeze %dma_start3A_35 : memref<1x128xi32, #tpu.memory_space<vmem>> -> memref<128xi32, #tpu.memory_space<vmem>>
        %dma_start3A_37 = arith.constant 0 : i32
        %dma_start3A_38 = arith.constant 0 : i32
        %dma_start3A_39 = tpu.memref_slice %arg8[%dma_start3A_37, %dma_start3A_38] : memref<51200x16xf32, #tpu.memory_space<vmem_shared>> -> memref<51200x16xf32, #tpu.memory_space<vmem_shared>>
        tpu.enqueue_indirect_dma source(%arg6 : memref<128x16xf32, #tpu.memory_space<vmem>>) target(%dma_start3A_39 : memref<51200x16xf32, #tpu.memory_space<vmem_shared>>) offsets(%dma_start3A_36 : memref<128xi32, #tpu.memory_space<vmem>>) semaphore(%run_scoped3A_34 : memref<!tpu.dma_semaphore, #tpu.memory_space<semaphore_mem>>) {add = true}
        %dma_wait3A = arith.constant 0 : i32
        %dma_wait3A_40 = tpu.memref_slice %arg5[%run_scoped3A_33, %dma_wait3A] : memref<4x128xi32, #tpu.memory_space<vmem>> -> memref<1x128xi32, #tpu.memory_space<vmem>>
        %dma_wait3A_41 = tpu.memref_squeeze %dma_wait3A_40 : memref<1x128xi32, #tpu.memory_space<vmem>> -> memref<128xi32, #tpu.memory_space<vmem>>
        %dma_wait3A_42 = arith.constant 0 : i32
        %dma_wait3A_43 = arith.constant 0 : i32
        %dma_wait3A_44 = tpu.memref_slice %arg8[%dma_wait3A_42, %dma_wait3A_43] : memref<51200x16xf32, #tpu.memory_space<vmem_shared>> -> memref<51200x16xf32, #tpu.memory_space<vmem_shared>>
        tpu.wait_indirect_dma semaphore(%run_scoped3A_34 : memref<!tpu.dma_semaphore, #tpu.memory_space<semaphore_mem>>) src(%arg6 : memref<128x16xf32, #tpu.memory_space<vmem>>) dst(%dma_wait3A_44 : memref<51200x16xf32, #tpu.memory_space<vmem_shared>>)
        tpu.yield
      }) : () -> ()
    }
    %scan3A_14 = arith.constant 49 : i32
    %barrier3A_15 = arith.constant 0 : index
    tpu.barrier barrier_id(%barrier3A_15)
    %eq3A = arith.constant 0 : i32
    %eq3A_16 = arith.cmpi eq, %arg0, %eq3A : i32
    %convert_element_type3A = arith.extui %eq3A_16 : i1 to i32
    %cond3A = arith.constant 0 : i32
    %cond3A_17 = arith.cmpi ne, %convert_element_type3A, %cond3A : i32
    scf.if %cond3A_17 {
      %lt3A = arith.constant 15 : i32
      %lt3A_23 = arith.cmpi slt, %arg1, %lt3A : i32
      %convert_element_type3A_24 = arith.extui %lt3A_23 : i1 to i32
      %cond3A_25 = arith.constant 0 : i32
      %cond3A_26 = arith.cmpi ne, %convert_element_type3A_24, %cond3A_25 : i32
      scf.if %cond3A_26 {
        %mul3A_32 = arith.constant 3200 : i32
        %mul3A_33 = arith.muli %arg1, %mul3A_32 : i32
        %mul3A_34 = arith.constant 3200 : i32
        %mul3A_35 = arith.muli %arg1, %mul3A_34 : i32
        "tpu.region"() ({
          %run_scoped3A = tpu.sem_alloc : memref<!tpu.dma_semaphore, #tpu.memory_space<semaphore_mem>>
          %dma_start3A = arith.constant 0 : i32
          %dma_start3A_36 = tpu.memref_slice %arg3[%mul3A_35, %dma_start3A] : memref<50000x16xf32, #tpu.memory_space<hbm>> -> memref<3200x16xf32, #tpu.memory_space<hbm>>
          %dma_start3A_37 = arith.constant 0 : i32
          %dma_start3A_38 = tpu.memref_slice %arg8[%mul3A_33, %dma_start3A_37] : memref<51200x16xf32, #tpu.memory_space<vmem_shared>> -> memref<3200x16xf32, #tpu.memory_space<vmem_shared>>
          tpu.enqueue_dma source(%dma_start3A_38 : memref<3200x16xf32, #tpu.memory_space<vmem_shared>>) target(%dma_start3A_36 : memref<3200x16xf32, #tpu.memory_space<hbm>>) target_semaphore(%run_scoped3A : memref<!tpu.dma_semaphore, #tpu.memory_space<semaphore_mem>>)
          %dma_wait3A = arith.constant 0 : i32
          %dma_wait3A_39 = tpu.memref_slice %arg3[%mul3A_35, %dma_wait3A] : memref<50000x16xf32, #tpu.memory_space<hbm>> -> memref<3200x16xf32, #tpu.memory_space<hbm>>
          %dma_wait3A_40 = arith.constant 0 : i32
          %dma_wait3A_41 = tpu.memref_slice %arg8[%mul3A_33, %dma_wait3A_40] : memref<51200x16xf32, #tpu.memory_space<vmem_shared>> -> memref<3200x16xf32, #tpu.memory_space<vmem_shared>>
          tpu.wait_dma2 semaphore(%run_scoped3A : memref<!tpu.dma_semaphore, #tpu.memory_space<semaphore_mem>>) src(%dma_wait3A_41 : memref<3200x16xf32, #tpu.memory_space<vmem_shared>>) dst(%dma_wait3A_39 : memref<3200x16xf32, #tpu.memory_space<hbm>>)
          tpu.yield
        }) : () -> ()
      } else {
      }
      %eq3A_27 = arith.constant 15 : i32
      %eq3A_28 = arith.cmpi eq, %arg1, %eq3A_27 : i32
      %convert_element_type3A_29 = arith.extui %eq3A_28 : i1 to i32
      %cond3A_30 = arith.constant 0 : i32
      %cond3A_31 = arith.cmpi ne, %convert_element_type3A_29, %cond3A_30 : i32
      scf.if %cond3A_31 {
        "tpu.region"() ({
          %run_scoped3A = tpu.sem_alloc : memref<!tpu.dma_semaphore, #tpu.memory_space<semaphore_mem>>
          %dma_start3A = arith.constant 48000 : i32
          %dma_start3A_32 = arith.constant 0 : i32
          %dma_start3A_33 = tpu.memref_slice %arg3[%dma_start3A, %dma_start3A_32] : memref<50000x16xf32, #tpu.memory_space<hbm>> -> memref<2000x16xf32, #tpu.memory_space<hbm>>
          %dma_start3A_34 = arith.constant 48000 : i32
          %dma_start3A_35 = arith.constant 0 : i32
          %dma_start3A_36 = tpu.memref_slice %arg8[%dma_start3A_34, %dma_start3A_35] : memref<51200x16xf32, #tpu.memory_space<vmem_shared>> -> memref<2000x16xf32, #tpu.memory_space<vmem_shared>>
          tpu.enqueue_dma source(%dma_start3A_36 : memref<2000x16xf32, #tpu.memory_space<vmem_shared>>) target(%dma_start3A_33 : memref<2000x16xf32, #tpu.memory_space<hbm>>) target_semaphore(%run_scoped3A : memref<!tpu.dma_semaphore, #tpu.memory_space<semaphore_mem>>)
          %dma_wait3A = arith.constant 48000 : i32
          %dma_wait3A_37 = arith.constant 0 : i32
          %dma_wait3A_38 = tpu.memref_slice %arg3[%dma_wait3A, %dma_wait3A_37] : memref<50000x16xf32, #tpu.memory_space<hbm>> -> memref<2000x16xf32, #tpu.memory_space<hbm>>
          %dma_wait3A_39 = arith.constant 48000 : i32
          %dma_wait3A_40 = arith.constant 0 : i32
          %dma_wait3A_41 = tpu.memref_slice %arg8[%dma_wait3A_39, %dma_wait3A_40] : memref<51200x16xf32, #tpu.memory_space<vmem_shared>> -> memref<2000x16xf32, #tpu.memory_space<vmem_shared>>
          tpu.wait_dma2 semaphore(%run_scoped3A : memref<!tpu.dma_semaphore, #tpu.memory_space<semaphore_mem>>) src(%dma_wait3A_41 : memref<2000x16xf32, #tpu.memory_space<vmem_shared>>) dst(%dma_wait3A_38 : memref<2000x16xf32, #tpu.memory_space<hbm>>)
          tpu.yield
        }) : () -> ()
      } else {
      }
    } else {
    }
    %eq3A_18 = arith.constant 1 : i32
    %eq3A_19 = arith.cmpi eq, %arg0, %eq3A_18 : i32
    %convert_element_type3A_20 = arith.extui %eq3A_19 : i1 to i32
    %cond3A_21 = arith.constant 0 : i32
    %cond3A_22 = arith.cmpi ne, %convert_element_type3A_20, %cond3A_21 : i32
    scf.if %cond3A_22 {
      %lt3A = arith.constant 15 : i32
      %lt3A_23 = arith.cmpi slt, %arg1, %lt3A : i32
      %convert_element_type3A_24 = arith.extui %lt3A_23 : i1 to i32
      %cond3A_25 = arith.constant 0 : i32
      %cond3A_26 = arith.cmpi ne, %convert_element_type3A_24, %cond3A_25 : i32
      scf.if %cond3A_26 {
        %mul3A_32 = arith.constant 3200 : i32
        %mul3A_33 = arith.muli %arg1, %mul3A_32 : i32
        %mul3A_34 = arith.constant 3200 : i32
        %mul3A_35 = arith.muli %arg1, %mul3A_34 : i32
        "tpu.region"() ({
          %run_scoped3A = tpu.sem_alloc : memref<!tpu.dma_semaphore, #tpu.memory_space<semaphore_mem>>
          %dma_start3A = arith.constant 0 : i32
          %dma_start3A_36 = tpu.memref_slice %arg4[%mul3A_35, %dma_start3A] : memref<50000x16xf32, #tpu.memory_space<hbm>> -> memref<3200x16xf32, #tpu.memory_space<hbm>>
          %dma_start3A_37 = arith.constant 0 : i32
          %dma_start3A_38 = tpu.memref_slice %arg8[%mul3A_33, %dma_start3A_37] : memref<51200x16xf32, #tpu.memory_space<vmem_shared>> -> memref<3200x16xf32, #tpu.memory_space<vmem_shared>>
          tpu.enqueue_dma source(%dma_start3A_38 : memref<3200x16xf32, #tpu.memory_space<vmem_shared>>) target(%dma_start3A_36 : memref<3200x16xf32, #tpu.memory_space<hbm>>) target_semaphore(%run_scoped3A : memref<!tpu.dma_semaphore, #tpu.memory_space<semaphore_mem>>)
          %dma_wait3A = arith.constant 0 : i32
          %dma_wait3A_39 = tpu.memref_slice %arg4[%mul3A_35, %dma_wait3A] : memref<50000x16xf32, #tpu.memory_space<hbm>> -> memref<3200x16xf32, #tpu.memory_space<hbm>>
          %dma_wait3A_40 = arith.constant 0 : i32
          %dma_wait3A_41 = tpu.memref_slice %arg8[%mul3A_33, %dma_wait3A_40] : memref<51200x16xf32, #tpu.memory_space<vmem_shared>> -> memref<3200x16xf32, #tpu.memory_space<vmem_shared>>
          tpu.wait_dma2 semaphore(%run_scoped3A : memref<!tpu.dma_semaphore, #tpu.memory_space<semaphore_mem>>) src(%dma_wait3A_41 : memref<3200x16xf32, #tpu.memory_space<vmem_shared>>) dst(%dma_wait3A_39 : memref<3200x16xf32, #tpu.memory_space<hbm>>)
          tpu.yield
        }) : () -> ()
      } else {
      }
      %eq3A_27 = arith.constant 15 : i32
      %eq3A_28 = arith.cmpi eq, %arg1, %eq3A_27 : i32
      %convert_element_type3A_29 = arith.extui %eq3A_28 : i1 to i32
      %cond3A_30 = arith.constant 0 : i32
      %cond3A_31 = arith.cmpi ne, %convert_element_type3A_29, %cond3A_30 : i32
      scf.if %cond3A_31 {
        "tpu.region"() ({
          %run_scoped3A = tpu.sem_alloc : memref<!tpu.dma_semaphore, #tpu.memory_space<semaphore_mem>>
          %dma_start3A = arith.constant 48000 : i32
          %dma_start3A_32 = arith.constant 0 : i32
          %dma_start3A_33 = tpu.memref_slice %arg4[%dma_start3A, %dma_start3A_32] : memref<50000x16xf32, #tpu.memory_space<hbm>> -> memref<2000x16xf32, #tpu.memory_space<hbm>>
          %dma_start3A_34 = arith.constant 48000 : i32
          %dma_start3A_35 = arith.constant 0 : i32
          %dma_start3A_36 = tpu.memref_slice %arg8[%dma_start3A_34, %dma_start3A_35] : memref<51200x16xf32, #tpu.memory_space<vmem_shared>> -> memref<2000x16xf32, #tpu.memory_space<vmem_shared>>
          tpu.enqueue_dma source(%dma_start3A_36 : memref<2000x16xf32, #tpu.memory_space<vmem_shared>>) target(%dma_start3A_33 : memref<2000x16xf32, #tpu.memory_space<hbm>>) target_semaphore(%run_scoped3A : memref<!tpu.dma_semaphore, #tpu.memory_space<semaphore_mem>>)
          %dma_wait3A = arith.constant 48000 : i32
          %dma_wait3A_37 = arith.constant 0 : i32
          %dma_wait3A_38 = tpu.memref_slice %arg4[%dma_wait3A, %dma_wait3A_37] : memref<50000x16xf32, #tpu.memory_space<hbm>> -> memref<2000x16xf32, #tpu.memory_space<hbm>>
          %dma_wait3A_39 = arith.constant 48000 : i32
          %dma_wait3A_40 = arith.constant 0 : i32
          %dma_wait3A_41 = tpu.memref_slice %arg8[%dma_wait3A_39, %dma_wait3A_40] : memref<51200x16xf32, #tpu.memory_space<vmem_shared>> -> memref<2000x16xf32, #tpu.memory_space<vmem_shared>>
          tpu.wait_dma2 semaphore(%run_scoped3A : memref<!tpu.dma_semaphore, #tpu.memory_space<semaphore_mem>>) src(%dma_wait3A_41 : memref<2000x16xf32, #tpu.memory_space<vmem_shared>>) dst(%dma_wait3A_38 : memref<2000x16xf32, #tpu.memory_space<hbm>>)
          tpu.yield
        }) : () -> ()
      } else {
      }
    } else {
    }
    return
  }
}

</mosaic_0001>

<sc_bundles>
// kernel: _sc_degree.3.cloned.1.call-start
scs
__scs_entry_jumppad:
0x0: {  	(pc) =	sbr.rel $0x88, $3  }
0x1: {  	(tag) =	ssettag $0x0;
	lr =	simm.s32 $0x1  }
0x2: {  	[smem:$0x3FA0] =	sst lr;
	_ =	strace $0xD0000000  }
0x3: {  	_ = 	snop  }
0x4: {  	_ = 	snop  }
0x5: {  	_ = 	snop  }
0x6: {  	_ = 	snop  }
0x7: {  	_ = 	snop  }
__scs_overlays_trampoline_lowered:
0x8: {  	[smem:$0x3FAF] =	sst s0  }
0x9: {  	[smem:$0x3FB0] =	sst s1  }
0xa: {  	[smem:$0x3FB1] =	sst s2  }
0xb: {  	[smem:$0x3FB2] =	sst s3  }
0xc: {  	[smem:$0x3FB3] =	sst s4  }
0xd: {  	[smem:$0x3FB4] =	sst s5  }
0xe: {  	[smem:$0x3FB5] =	sst s6  }
0xf: {  	[smem:$0x3FB6] =	sst s7  }
0x10: {  	[smem:$0x3FB7] =	sst s8  }
0x11: {  	[smem:$0x3FB8] =	sst s9;
	s0 =	simm.s32 @!p0 $0x0  }
0x12: {  	s1 =	sld [smem:$0x3F9E];
	s0 =	simm.s32 @p0 $0x1  }
0x13: {  	[smem:$0x3FB9] =	sst s0;
	s0 =	simm.s32 @!p1 $0x0  }
0x14: {  	s2 =	sld [smem:$0x3F9D];
	s0 =	simm.s32 @p1 $0x1  }
0x15: {  	[smem:$0x3FBA] =	sst s0;
	s0 =	simm.s32 @!p2 $0x0  }
0x16: {  	s3 =	sld [smem:$0x3FDB];
	s0 =	simm.s32 @p2 $0x1  }
0x17: {  	s4 =	simm.s32 $0x1BF5;
	[smem:$0x3FBC] =	sst s0  }
0x18: {  	s0 =	sld [smem:$0x3F9F];
	_ =	swait.ge [sflag:s4], $0x0  }
0x19: {  	s7 =	sld [smem:$0x3FA0]  }
0x1a: {  	s8 =	sadd.s32 $0xFFFFE003, lr  }
0x1b: {  	s9 =	sadd.s32 $0xFFFFFEF7, lr;
	s5 =	simm.s32 $0xFFFFFFFF;
	p2 =	slt.u32 s8, $0xFFFFF086  }
0x1c: {  	p1 =	slt.u32 s9, $0xF7A;
	s5 =	simm.s32 @!p2 $0x0  }
0x1d: {  	s5 =	simm.s32 @p1 $0x1;
	p0 =	seq.s32 s7, s2  }
0x1e: {  	s7 =	smul.u32 @!p0 $0xF7A, s2;
	p2 =	seq.s32 @!p0 s5, $0x0  }
0x1f: {  	s9 =	smul.u32 $0xF7A, s1;
	s8 =	simm.s32 @!p0 $0x1BF5;
	p2 =	por !p2, p0  }
0x20: {  	[sflag:s8] =	ssyncset.s32 @!p0 $0xFFFFF086;
	s6 =	sadd.s32 @!p0 s3, s7;
	s7 =	simm.s32 @!p0 $0x108  }
0x21: {  	s3 =	sadd.s32 s3, s9;
	s6 =	sadd.s32 @!p0 $0x88, s6;
	s7 =	simm.s32 @p2 $0x1082  }
0x22: {  	[simem:s7], [sflag:s8] =	dma.local @!p0 [hbm:s6], $0xF7A  }
0x23: {  	s9 =	sor.u32 $0xD0000000, s2;
	s6 =	simm.s32 $0x108;
	_ =	swait.ge @!p0 [sflag:s8], $0x0  }
0x24: {  	s3 =	sadd.s32 $0x88, s3;
	s6 =	simm.s32 @!p1 $0x1082;
	[sflag:s4] =	ssyncset.s32 $0xFFFFF086  }
0x25: {  	[simem:s6], [sflag:s4] =	dma.local [hbm:s3], $0xF7A  }
0x26: {  	[smem:$0x3FA0] =	sst s1;
	(tag) =	ssettag s2;
	_ =	strace s9  }
0x27: {  	s1 =	sld [smem:$0x3FB0]  }
0x28: {  	s2 =	sld [smem:$0x3FB1]  }
0x29: {  	s4 =	sld [smem:$0x3FB3]  }
0x2a: {  	p0 =	seq.s32 s5, $0x0;
	s5 =	sld [smem:$0x3FB4]  }
0x2b: {  	s6 =	sld [smem:$0x3FB5]  }
0x2c: {  	s7 =	sld [smem:$0x3FB6]  }
0x2d: {  	s3 =	simm.s32 $0x108;
	s8 =	sld [smem:$0x3FB7]  }
0x2e: {  	s3 =	simm.s32 @!p0 $0x1082;
	s9 =	sld [smem:$0x3FB8]  }
0x2f: {  	lr =	sadd.s32 s0, s3;
	s0 =	sld [smem:$0x3FAF]  }
0x30: {  	s3 =	sld [smem:$0x3FB2]  }
0x31: {  	[smem:$0x3FBB] =	sst s10  }
0x32: {  	s10 =	sld [smem:$0x3FB9];
	_ =	sdelay $0x3  }
0x33: {  	p0 =	seq.s32 s10, $0x1;
	s10 =	sld [smem:$0x3FBB];
	_ =	sdelay $0x3  }
0x34: {  	[smem:$0x3FBB] =	sst s10  }
0x35: {  	s10 =	sld [smem:$0x3FBA];
	_ =	sdelay $0x3  }
0x36: {  	p1 =	seq.s32 s10, $0x1;
	s10 =	sld [smem:$0x3FBB];
	_ =	sdelay $0x3  }
0x37: {  	[smem:$0x3FBB] =	sst s10  }
0x38: {  	s10 =	sld [smem:$0x3FBC]  }
0x39: {  	_ = 	snop;
	(pc) =	sbr.ind lr, $3  }
0x3a: {  	_ = 	snop  }
0x3b: {  	_ = 	snop  }
0x3c: {  	p2 =	seq.s32 s10, $0x1;
	s10 =	sld [smem:$0x3FBB]  }
0x3d: {  	_ =	shalt  }
0x3e: {  	_ =	shalt  }
0x3f: {  	_ =	shalt  }
0x40: {  	_ =	shalt  }
0x41: {  	_ =	shalt  }
0x42: {  	_ =	shalt  }
0x43: {  	_ =	shalt  }
0x44: {  	_ =	shalt  }
0x45: {  	_ =	shalt  }
0x46: {  	_ =	shalt  }
0x47: {  	_ =	shalt  }
0x48: {  	_ =	shalt  }
0x49: {  	_ =	shalt  }
0x4a: {  	_ =	shalt  }
0x4b: {  	_ =	shalt  }
0x4c: {  	_ =	shalt  }
0x4d: {  	_ =	shalt  }
0x4e: {  	_ =	shalt  }
0x4f: {  	_ =	shalt  }
0x50: {  	_ =	shalt  }
0x51: {  	_ =	shalt  }
0x52: {  	_ =	shalt  }
0x53: {  	_ =	shalt  }
0x54: {  	_ =	shalt  }
0x55: {  	_ =	shalt  }
0x56: {  	_ =	shalt  }
0x57: {  	_ =	shalt  }
0x58: {  	_ =	shalt  }
0x59: {  	_ =	shalt  }
0x5a: {  	_ =	shalt  }
0x5b: {  	_ =	shalt  }
0x5c: {  	_ =	shalt  }
0x5d: {  	_ =	shalt  }
0x5e: {  	_ =	shalt  }
0x5f: {  	_ =	shalt  }
0x60: {  	_ =	shalt  }
0x61: {  	_ =	shalt  }
0x62: {  	_ =	shalt  }
0x63: {  	_ =	shalt  }
0x64: {  	_ =	shalt  }
0x65: {  	_ =	shalt  }
0x66: {  	_ =	shalt  }
0x67: {  	_ =	shalt  }
0x68: {  	_ =	shalt  }
0x69: {  	_ =	shalt  }
0x6a: {  	_ =	shalt  }
0x6b: {  	_ =	shalt  }
0x6c: {  	_ =	shalt  }
0x6d: {  	_ =	shalt  }
0x6e: {  	_ =	shalt  }
0x6f: {  	_ =	shalt  }
0x70: {  	_ =	shalt  }
0x71: {  	_ =	shalt  }
0x72: {  	_ =	shalt  }
0x73: {  	_ =	shalt  }
0x74: {  	_ =	shalt  }
0x75: {  	_ =	shalt  }
0x76: {  	_ =	shalt  }
0x77: {  	_ =	shalt  }
0x78: {  	_ =	shalt  }
0x79: {  	_ =	shalt  }
0x7a: {  	_ =	shalt  }
0x7b: {  	_ =	shalt  }
0x7c: {  	_ =	shalt  }
0x7d: {  	_ =	shalt  }
0x7e: {  	_ =	shalt  }
0x7f: {  	_ =	shalt  }
0x80: {  	_ =	shalt  }
0x81: {  	_ =	shalt  }
0x82: {  	_ =	shalt  }
0x83: {  	_ =	shalt  }
0x84: {  	_ =	shalt  }
0x85: {  	_ =	shalt  }
0x86: {  	_ =	shalt  }
0x87: {  	_ =	shalt  }
.Lfunc_end0:
.L_simem_size_0:
called_computation_lowered:
.L_overlay_start_0:
0x88: {  	s2 =	sld [smem:$0x3FD9]  }
0x89: {  	s3 =	sld [smem:$0x3FFE];
	_ =	sdelay $0x1  }
0x8a: {  	s1 =	srdreg.scid  }
0x8b: {  	s0 =	sand.u32 $0x1, s1  }
0x8c: {  	s15 =	sshll.u32 s0, $0xA;
	s2 =	sadd.s32 s3, s2  }
0x8d: {  	s2 =	sadd.s32 s2, s15  }
0x8e: {  	[smem:$0x3FC7] =	sst s2  }
0x8f: {  	_ = 	snop  }
0x90: {  	s2 =	sld [smem:$0x3FD0];
	_ =	sdelay $0x2  }
0x91: {  	s4 =	simm.s32 $0xA;
	s5 =	simm.s32 $0x10;
	s16 =	sld [smem:$0x3FC9]  }
0x92: {  	[smem:s5], [sflag:s4] =	dma.local [hbm:s2], $0x1  }
0x93: {  	_ =	swait.eq [sflag:s4], $0x1  }
0x94: {  	[sflag:s4] =	ssyncset.done $0x0  }
0x95: {  	s17 =	sld [smem:$0x10];
	[sflag:s4] =	ssyncadd.s32 $0xFFFFFFFF  }
0x96: {  	s18 =	sld [smem:$0x11];
	(tm) =	ssettm $0x1  }
0x97: {  	s19 =	sld [smem:$0x3FFB];
	_ =	sdelay $0x3  }
0x98: {  	_ =	strace s19  }
0x99: {  	s5 =	sld [smem:$0x3FFC];
	_ =	sdelay $0x3  }
0x9a: {  	_ =	strace s5  }
0x9b: {  	s5 =	sld [smem:$0x3FFD];
	_ =	sdelay $0x3  }
0x9c: {  	_ =	strace s5  }
0x9d: {  	_ =	strace $0x8FFFFFFF  }
0x9e: {  	s20 =	sld [smem:$0x3FDB];
	_ =	sdelay $0x1  }
0x9f: {  	s6 =	simm.s32 $_scs_section_size  }
0xa0: {  	s7 =	simm.s32 $_size__tile_overlayer_lowered;
	s8 =	simm.s32 $_tile_overlayer_lowered  }
0xa1: {  	s23 =	simm.s32 $0x1BFF;
	s22 =	sshll.u32 s8, $0x1;
	s5 =	sadd.s32 s6, s20  }
0xa2: {  	s9 =	simm.s32 $0x0;
	s21 =	sshll.u32 s7, $0x1;
	s7 =	sadd.s32 s22, s5  }
0xa3: {  	[timem:s9], [sflag:s23] =	dma.local [hbm:s7], s21  }
0xa4: {  	_ =	swait.ge [sflag:s23], s21  }
0xa5: {  	s6 =	ssub.s32 $0x0, s21;
	[sflag:s23] =	ssyncset.done $0x0  }
0xa6: {  	[sflag:s23] =	ssyncadd.s32 s6;
	_ =	sdelay $0x1  }
0xa7: {  	s24 =	simm.s32 $0x1B8B  }
0xa8: {  	_ =	swait.ge [sflag:s24], $0x1  }
0xa9: {  	[sflag:s24] =	ssyncset.done $0x0  }
0xaa: {  	s25 =	simm.s32 $0x1B8E;
	[sflag:s24] =	ssyncadd.s32 $0xFFFFFFFF  }
0xab: {  	s26 =	simm.s32 $execute0_lowered;
	[smem:$0x3FD2] =	sst s25  }
0xac: {  	s6 =	sshll.u32 s26, $0x1;
	_ =	strace $0x80000046;
	[dreg:$0x1] =	wrdreg $0xFFFFFFFF  }
0xad: {  	s28 =	simm.s32 $_size_execute0_lowered;
	s5 =	sadd.s32 s5, s6;
	[dreg:$0x0] =	wrdreg $0x0  }
0xae: {  	s6 =	sshll.u32 s28, $0x1;
	[dreg:$0x2] =	wrdreg s5  }
0xaf: {  	[dreg:$0x3] =	wrdreg s6  }
0xb0: {  	[dreg:$0x4] =	wrdreg $0xC0  }
0xb1: {  	_ =	task [dreg:s9], $0x5FFFF  }
0xb2: {  	[dreg:$0x1] =	wrdreg $0xFFFFFFFF  }
0xb3: {  	[dreg:$0x0] =	wrdreg $0x60  }
0xb4: {  	[dreg:$0x2] =	wrdreg s16  }
0xb5: {  	[dreg:$0x3] =	wrdreg s17  }
0xb6: {  	[dreg:$0x4] =	wrdreg s18  }
0xb7: {  	[dreg:$0x5] =	wrdreg $0x12000  }
0xb8: {  	[dreg:$0x6] =	wrdreg $0x9  }
0xb9: {  	_ =	task.clear_ibuf [dreg:s9], $0x7FFFF;
	_ =	strace $0x90000046  }
0xba: {  	s29 =	simm.s32 $0x9;
	_ =	strace $0x80000048  }
0xbb: {  	_ =	swait.ge [sflag:s29], $0x1  }
0xbc: {  	[sflag:s29] =	ssyncadd.s32 $0xFFFFFFFF  }
0xbd: {  	_ =	strace $0x90000048  }
0xbe: {  	_ =	sfence  }
0xbf: {  	s30 =	sld [smem:$0x0];
	_ =	sdelay $0x2  }
0xc0: {  	s31 =	sshll.u32 s1, $0xD;
	s1 =	sshrl.u32 s1, $0x2  }
0xc1: {  	s3 =	sand.u32 $0x4000, s31;
	s1 =	sadd.s32 s1, s30  }
0xc2: {  	s0 =	sor.u32 s3, s0;
	s1 =	sshll.u32 s1, $0x11  }
0xc3: {  	s0 =	sor.u32 s1, s0  }
0xc4: {  	s0 =	sadd.s32 $0x8F2B, s0  }
0xc5: {  	[sflag:s0] =	ssyncadd.remote.s32 $0x1  }
0xc6: {  	_ =	sfence.sel $0xFFFF  }
0xc7: {  	[dreg:$0x0] =	wrdreg $0xFFFFFFFF;
	(pc) =	sbr.abs _section_cstart, $3  }
0xc8: {  	[dreg:$0x1] =	wrdreg $0xFFFFFFFF  }
0xc9: {  	_ =	task.clear_ibuf [dreg:s9], $0x2FFFF;
	_ =	strace $0x9FFFFFFF  }
0xca: {  	(tm) =	ssettm $0x7FFFFFFF  }
0xcb: {  	_ =	shalt  }
tec
execute0_lowered:
.L_overlay_start_1:
0x0: {  	(tag) =	ssettag $0x1  }
0x1: {  	s12 =	rddreg [dreg:$0x0]  }
0x2: {  	s7 =	rddreg [dreg:$0x1]  }
0x3: {  	s10 =	rddreg [dreg:$0x2]  }
0x4: {  	s2 =	rddreg [dreg:$0x3]  }
0x5: {  	s0 =	rddreg [dreg:$0x4];
	s4 =	srdreg.scid  }
0x6: {  	s3 =	simm.s32 $0x0;
	s1 =	stileid.u32;
	s16 =	simm.s32 $0x200  }
0x7: {  	s17 =	simm.s32 $0x100;
	s18 =	simm.s32 $0x180;
	s6 =	smul.u32 $0x32000, s1  }
0x8: {  	s19 =	simm.s32 $0x0;
	s5 =	sand.u32 $0x1, s4;
	s9 =	smul.u32 $0xC800, s1  }
0x9: {  	[smem:$0x7FF] =	sst s3;
	s15 =	smul.u32 $0x6200, s1;
	s4 =	ssub.s32 $0x2, s5  }
0xa: {  	_ =	strace $0x80000047;
	s13 =	smul.u32 $0x62000, s5;
	p3 =	seq.s32 s5, $0x1  }
0xb: {  	s8 =	sshrl.u32 s4, $0x1;
	s31 =	sshrl.u32 s6, $0x2;
	s14 =	sshrl.u32 s9, $0x3  }
0xc: {  	s6 =	sadd.s32 s9, s2;
	p1 =	seq.s32 @p3 s1, $0xF;
	p4 =	seq.s32 @!p3 s1, $0xF  }
0xd: {  	s11 =	ssub.s32 s4, s8;
	s4 =	sadd.s32 s31, s2;
	s5 =	sadd.s32 s7, s14  }
0xe: {  	s7 =	sadd.s32 $0x17700, s7;
	s8 =	sadd.s32 $0xBB800, s2;
	s13 =	sadd.s32 s15, s13  }
0xf: {  	s9 =	sadd.s32 s10, s14;
	s10 =	sadd.s32 $0x17700, s10;
	s14 =	simm.s32 $0x1  }
0x10: {  	s15 =	simm.s32 $0x80;
	p0 =	por !p1, !p3;
	p1 =	por p1, !p3  }
0x11: {  	p2 =	por !p4, p3;
	p3 =	por p4, p3;
	s13 =	sshrl.u32 s13, $0x3  }
0x12: {  	v0 =	vimm.f32 $1.000000000e+00;
	v1 =	vimm.f32 $0.0e+00;
	s11 =	smax.u32 s11, $0x1;
	s12 =	sadd.s32 s13, s12;
	s13 =	simm.s32 $0xA00  }
.LBB2_1:
0x13: {  	s20 =	simm.s32 $0x0  }
.LBB2_2:
0x14: {  	p4 =	sne.s32 s20, $0x1FC0  }
.Ltmp0:
0x15: {  	_ = 	snop;
	(pc) =	sbr.rel @p4 .LBB2_2-.Ltmp0, $4  }
0x16: {  	_ = 	snop  }
0x17: {  	s21 =	sshra.s32 s20, $0x2  }
0x18: {  	[tilespmem:s21+$0x200] =	vst v0  }
0x19: {  	s20 =	sadd.s32 $0x40, s20;
	[tilespmem:s21+$0xA00] =	vst v1  }
0x1a: {  	s20 =	sadd.s32 $0x0, s4  }
0x1b: {  	[spmem:s20] =	stream.linear.scatter [tilespmem:s13], [sflag:$0x1], $0x800, $0x38;
	[tilespmem:$0xDA00] =	vst v63  }
0x1c: {  	s20 =	simm.s32 $0x2000;
	_ =	swait.ge [sflag:s14], $0x800  }
.LBB2_4:
0x1d: {  	s21 =	sshra.s32 s20, $0x2;
	[sflag:s14] =	ssyncset.done $0x0;
	p4 =	sne.s32 s20, $0x30000  }
.Ltmp1:
0x1e: {  	s21 =	sadd.s32 s21, s4;
	[sflag:s14] =	ssyncadd.s32 $0xFFFFF800;
	(pc) =	sbr.rel @p4 .LBB2_4-.Ltmp1, $3  }
0x1f: {  	[spmem:s21] =	stream.linear.scatter [tilespmem:s13], [sflag:$0x1], $0x800, $0x38;
	[tilespmem:$0xDA00] =	vst v63  }
0x20: {  	s20 =	sadd.s32 $0x2000, s20;
	_ =	sdelay $0x1  }
0x21: {  	_ =	swait.ge [sflag:s14], $0x800  }
0x22: {  	[sflag:s14] =	ssyncset.done $0x0  }
0x23: {  	[sflag:s14] =	ssyncadd.s32 $0xFFFFF800  }
0x24: {  	s20 =	sadd.s32 $0x0, s12;
	[bflag:$0x0] =	sbarrier.arrive $0xFFFF  }
0x25: {  	[tilespmem:s3], [sflag:$0x1] =	stream.linear.gather [hbm4b:s20+s3], $0x200, $0x38;
	[tilespmem:$0xDA00] =	vst v63  }
0x26: {  	_ =	swait.ge [sflag:s14], $0x200  }
0x27: {  	[sflag:s14] =	ssyncset.done $0x0  }
0x28: {  	[sflag:s14] =	ssyncadd.s32 $0xFFFFFE00  }
0x29: {  	[spmem:s2] =	stream.indirect.scatter.add.f32 [tilespmem:s16], [sflag:$0x1], $0x10, s3, s15, $0xb8;
	[tilespmem:$0xDA00] =	vst v63  }
0x2a: {  	_ =	swait.ge [sflag:s14], $0x800  }
0x2b: {  	[sflag:s14] =	ssyncset.done $0x0  }
0x2c: {  	[sflag:s14] =	ssyncadd.s32 $0xFFFFF800  }
0x2d: {  	[spmem:s2] =	stream.indirect.scatter.add.f32 [tilespmem:s16], [sflag:$0x1], $0x10, s15, s15, $0xb8;
	[tilespmem:$0xDA00] =	vst v63  }
0x2e: {  	_ =	swait.ge [sflag:s14], $0x800  }
0x2f: {  	[sflag:s14] =	ssyncset.done $0x0  }
0x30: {  	[sflag:s14] =	ssyncadd.s32 $0xFFFFF800  }
0x31: {  	[spmem:s2] =	stream.indirect.scatter.add.f32 [tilespmem:s16], [sflag:$0x1], $0x10, s17, s15, $0xb8;
	[tilespmem:$0xDA00] =	vst v63  }
0x32: {  	_ =	swait.ge [sflag:s14], $0x800  }
0x33: {  	[sflag:s14] =	ssyncset.done $0x0  }
0x34: {  	[sflag:s14] =	ssyncadd.s32 $0xFFFFF800  }
0x35: {  	[spmem:s2] =	stream.indirect.scatter.add.f32 [tilespmem:s16], [sflag:$0x1], $0x10, s18, s15, $0xb8;
	[tilespmem:$0xDA00] =	vst v63  }
0x36: {  	_ =	swait.ge [sflag:s14], $0x800  }
0x37: {  	s21 =	simm.s32 $0x80;
	s20 =	simm.s32 $0x40;
	[sflag:s14] =	ssyncset.done $0x0  }
.LBB2_6:
0x38: {  	s22 =	sadd.s32 s20, s12  }
0x39: {  	[sflag:s14] =	ssyncadd.s32 $0xFFFFF800;
	s20 =	smov.u32 s21;
	s23 =	sadd.s32 $0x40, s21  }
0x3a: {  	[tilespmem:s3], [sflag:$0x1] =	stream.linear.gather [hbm4b:s22+s3], $0x200, $0x38;
	[tilespmem:$0xDA00] =	vst v63  }
0x3b: {  	p4 =	sne.s32 s21, $0xC00;
	_ =	swait.ge [sflag:s14], $0x200  }
0x3c: {  	[sflag:s14] =	ssyncset.done $0x0  }
0x3d: {  	[sflag:s14] =	ssyncadd.s32 $0xFFFFFE00  }
0x3e: {  	[spmem:s2] =	stream.indirect.scatter.add.f32 [tilespmem:s16], [sflag:$0x1], $0x10, s3, s15, $0xb8;
	[tilespmem:$0xDA00] =	vst v63  }
0x3f: {  	_ =	swait.ge [sflag:s14], $0x800  }
0x40: {  	[sflag:s14] =	ssyncset.done $0x0  }
0x41: {  	[sflag:s14] =	ssyncadd.s32 $0xFFFFF800  }
0x42: {  	[spmem:s2] =	stream.indirect.scatter.add.f32 [tilespmem:s16], [sflag:$0x1], $0x10, s15, s15, $0xb8;
	[tilespmem:$0xDA00] =	vst v63  }
0x43: {  	_ =	swait.ge [sflag:s14], $0x800  }
0x44: {  	[sflag:s14] =	ssyncset.done $0x0  }
0x45: {  	[sflag:s14] =	ssyncadd.s32 $0xFFFFF800  }
0x46: {  	[spmem:s2] =	stream.indirect.scatter.add.f32 [tilespmem:s16], [sflag:$0x1], $0x10, s17, s15, $0xb8;
	[tilespmem:$0xDA00] =	vst v63  }
0x47: {  	_ =	swait.ge [sflag:s14], $0x800  }
.Ltmp2:
0x48: {  	[sflag:s14] =	ssyncset.done $0x0;
	(pc) =	sbr.rel @p4 .LBB2_6-.Ltmp2, $4  }
0x49: {  	[sflag:s14] =	ssyncadd.s32 $0xFFFFF800  }
0x4a: {  	[spmem:s2] =	stream.indirect.scatter.add.f32 [tilespmem:s16], [sflag:$0x1], $0x10, s18, s15, $0xb8;
	[tilespmem:$0xDA00] =	vst v63  }
0x4b: {  	_ =	swait.ge [sflag:s14], $0x800  }
0x4c: {  	s21 =	smov.u32 s23;
	[sflag:s14] =	ssyncset.done $0x0  }
0x4d: {  	s20 =	sadd.s32 s20, s12;
	[sflag:s14] =	ssyncadd.s32 $0xFFFFF800  }
0x4e: {  	[tilespmem:s3], [sflag:$0x1] =	stream.linear.gather [hbm4b:s20+s3], $0x200, $0x38;
	[tilespmem:$0xDA00] =	vst v63  }
0x4f: {  	_ =	swait.ge [sflag:s14], $0x200  }
0x50: {  	[sflag:s14] =	ssyncset.done $0x0  }
0x51: {  	[sflag:s14] =	ssyncadd.s32 $0xFFFFFE00  }
0x52: {  	[spmem:s2] =	stream.indirect.scatter.add.f32 [tilespmem:s16], [sflag:$0x1], $0x10, s3, s15, $0xb8;
	[tilespmem:$0xDA00] =	vst v63  }
0x53: {  	_ =	swait.ge [sflag:s14], $0x800  }
0x54: {  	[sflag:s14] =	ssyncset.done $0x0  }
0x55: {  	[sflag:s14] =	ssyncadd.s32 $0xFFFFF800  }
0x56: {  	[spmem:s2] =	stream.indirect.scatter.add.f32 [tilespmem:s16], [sflag:$0x1], $0x10, s15, s15, $0xb8;
	[tilespmem:$0xDA00] =	vst v63  }
0x57: {  	_ =	swait.ge [sflag:s14], $0x800  }
0x58: {  	[sflag:s14] =	ssyncset.done $0x0  }
0x59: {  	[sflag:s14] =	ssyncadd.s32 $0xFFFFF800  }
0x5a: {  	[spmem:s2] =	stream.indirect.scatter.add.f32 [tilespmem:s16], [sflag:$0x1], $0x10, s17, s15, $0xb8;
	[tilespmem:$0xDA00] =	vst v63  }
0x5b: {  	_ =	swait.ge [sflag:s14], $0x800  }
0x5c: {  	[sflag:s14] =	ssyncset.done $0x0  }
0x5d: {  	[sflag:s14] =	ssyncadd.s32 $0xFFFFF800  }
0x5e: {  	[spmem:s2] =	stream.indirect.scatter.add.f32 [tilespmem:s16], [sflag:$0x1], $0x10, s18, s15, $0xb8;
	[tilespmem:$0xDA00] =	vst v63  }
0x5f: {  	_ =	swait.ge [sflag:s14], $0x800  }
0x60: {  	[sflag:s14] =	ssyncset.done $0x0  }
0x61: {  	[sflag:s14] =	ssyncadd.s32 $0xFFFFF800  }
0x62: {  	s21 =	simm.s32 @!p0 $0x1FC1;
	s20 =	sshrl.u32 @!p0 s8, $0x3;
	[bflag:$0x0] =	sbarrier.arrive $0xFFFF  }
0x63: {  	[hbm:s10], [sflag:s21] =	dma.local @!p0 [spmem:s20], $0xFA0  }
0x64: {  	s20 =	simm.s32 @!p0 $0x1  }
0x65: {  	_ =	swait.ge @!p0 [sflag:s20], $0xFA0  }
0x66: {  	s21 =	sshll.u32 @!p1 s1, $0x6;
	[sflag:s20] =	ssyncset.done @!p0 $0x0  }
0x67: {  	[sflag:s20] =	ssyncadd.s32 @!p0 $0xFFFFF060;
	s20 =	sor.u32 @!p1 $0x1C01, s21;
	s21 =	sshrl.u32 @!p1 s6, $0x3  }
0x68: {  	[hbm:s9], [sflag:s20] =	dma.local @!p1 [spmem:s21], $0x1900  }
0x69: {  	s20 =	simm.s32 @!p1 $0x1  }
0x6a: {  	_ =	swait.ge @!p1 [sflag:s20], $0x1900  }
0x6b: {  	[sflag:s20] =	ssyncset.done @!p1 $0x0  }
0x6c: {  	s21 =	simm.s32 @!p2 $0x1FC1;
	[sflag:s20] =	ssyncadd.s32 @!p1 $0xFFFFE700;
	s20 =	sshrl.u32 @!p2 s8, $0x3  }
0x6d: {  	[hbm:s7], [sflag:s21] =	dma.local @!p2 [spmem:s20], $0xFA0  }
0x6e: {  	s20 =	simm.s32 @!p2 $0x1  }
0x6f: {  	s19 =	sadd.s32 $0x1, s19;
	_ =	swait.ge @!p2 [sflag:s20], $0xFA0  }
0x70: {  	p4 =	sne.s32 s19, s11;
	s21 =	sshll.u32 @!p3 s1, $0x6;
	[sflag:s20] =	ssyncset.done @!p2 $0x0  }
0x71: {  	[sflag:s20] =	ssyncadd.s32 @!p2 $0xFFFFF060;
	s20 =	sor.u32 @!p3 $0x1C01, s21;
	s21 =	sshrl.u32 @!p3 s6, $0x3  }
0x72: {  	[hbm:s5], [sflag:s20] =	dma.local @!p3 [spmem:s21], $0x1900  }
.Ltmp3:
0x73: {  	_ = 	snop;
	(pc) =	sbr.rel @p4 .LBB2_1-.Ltmp3, $4  }
0x74: {  	s20 =	simm.s32 @!p3 $0x1  }
0x75: {  	_ =	swait.ge @!p3 [sflag:s20], $0x1900  }
0x76: {  	[sflag:s20] =	ssyncset.done @!p3 $0x0  }
0x77: {  	[sflag:s20] =	ssyncadd.s32 @!p3 $0xFFFFE700  }
0x78: {  	_ =	sfence.sel $0x180000  }
0x79: {  	[bflag:$0x0] =	sbarrier.arrive $0xFFFF  }
0x7a: {  	p0 =	sne.s32 s1, $0x0;
	_ =	strace $0x90000047  }
0x7b: {  	s0 =	sadd.s32 @!p0 $0x100000, s0;
	[bflag:$0x2] =	sbarrier.arrive $0xFFFF  }
0x7c: {  	[sflag:s0] =	ssyncadd.tile.s32 @!p0 $0x1;
	_ =	shalt  }
.Lfunc_end2:
_tile_overlayer_lowered:
.L_overlay_start_2:
0x7d: {  	(tag) =	ssettag $0x2  }
0x7e: {  	s0 =	rddreg [dreg:$0x0];
	s2 =	stileid.u32  }
0x7f: {  	s1 =	rddreg [dreg:$0x1];
	p0 =	sne.s32 s2, $0x0  }
0x80: {  	s3 =	rddreg [dreg:$0x2];
	[bflag:$0x3] =	sbarrier.arrive $0xFFFF;
	s2 =	simm.s32 @!p0 $0x1C01  }
0x81: {  	[timem:s3], [sflag:s2] =	dma.local @!p0 [hbm:s0], s1  }
0x82: {  	s0 =	simm.s32 @!p0 $0x1  }
0x83: {  	_ =	swait.ge @!p0 [sflag:s0], s1  }
0x84: {  	s1 =	ssub.s32 @!p0 $0x0, s1;
	[sflag:s0] =	ssyncset.done @!p0 $0x0  }
0x85: {  	[sflag:s0] =	ssyncadd.s32 @!p0 s1  }
0x86: {  	[bflag:$0x3] =	sbarrier.arrive $0xFFFF  }
0x87: {  	_ =	shalt  }

</sc_bundles>
